<compile_context>
chip_gen: v7x
topology: tpu7x:2x2x1
jax: 0.10.2.dev20260603
libtpu: 0.0.44.dev20260713+nightly
codegen_flags: <defaults>
</compile_context>

<pallas_src>
import jax
import jax.numpy as jnp
from jax import lax
from jax.experimental import pallas as pl
from jax.experimental.pallas import tpu as pltpu
from jax.experimental.pallas import tpu_sc as plsc

B = 4096
F = 26
V = 100000
D = 16

_info = plsc.get_sparse_core_info()
NC = _info.num_cores
NS = _info.num_subcores
L = _info.num_lanes
NW = NC * NS
QPW = F * D // NW
NG = B // L
UNROLL = 4

SPLIT = 50176
HLEN = (SPLIT, V - SPLIT)


def _body(idx_hbm, tab_hbm, out_hbm, idx_v, out_v, r0, r1, s0, s1, osem):
    rows = (r0, r1)
    sems = (s0, s1)
    wid = lax.axis_index("s") * NC + lax.axis_index("c")
    q0 = wid * QPW

    def fd(q):
        f = q // D
        return f, q - f * D

    def stage(f, d, h):
        return pltpu.async_copy(
            tab_hbm.at[f, d, pl.ds(h * SPLIT, HLEN[h])], rows[h], sems[h])

    def stage_wait(f, d, h):
        pltpu.make_async_copy(
            tab_hbm.at[f, d, pl.ds(h * SPLIT, HLEN[h])], rows[h],
            sems[h]).wait()

    f_0, d_0 = fd(q0)
    stage(f_0, d_0, 0)
    stage(f_0, d_0, 1)

    def pair(i, f_prev):
        q = q0 + i
        f, d = fd(q)
        f1, d1 = fd(q + 1)

        @pl.when(i > 0)
        def _():
            pltpu.make_async_copy(out_v, out_hbm.at[f, d], osem).wait()

        @pl.when(f != f_prev)
        def _():
            pltpu.sync_copy(idx_hbm.at[f], idx_v)

        stage_wait(f, d, 0)

        def grp0(s, c):
            for m in range(UNROLL):
                o = s * (L * UNROLL) + m * L
                v16 = idx_v[pl.ds(o, L)]
                vl = jnp.minimum(v16, SPLIT - 1)
                out_v[pl.ds(o, L)] = plsc.load_gather(r0, [vl])
            return c

        lax.fori_loop(0, NG // UNROLL, grp0, 0)

        @pl.when(i < QPW - 1)
        def _():
            stage(f1, d1, 0)

        stage_wait(f, d, 1)

        def grp1(s, c):
            for m in range(UNROLL):
                o = s * (L * UNROLL) + m * L
                v16 = idx_v[pl.ds(o, L)]
                vl = jnp.maximum(v16 - SPLIT, 0)
                vals = plsc.load_gather(r1, [vl])
                out_v[pl.ds(o, L)] = jnp.where(
                    v16 >= SPLIT, vals, out_v[pl.ds(o, L)])
            return c

        lax.fori_loop(0, NG // UNROLL, grp1, 0)

        @pl.when(i < QPW - 1)
        def _():
            stage(f1, d1, 1)

        pltpu.async_copy(out_v, out_hbm.at[f, d], osem)
        return f

    lax.fori_loop(0, QPW, pair, jnp.int32(-1))
    f_l, d_l = fd(q0 + QPW - 1)
    pltpu.make_async_copy(out_v, out_hbm.at[f_l, d_l], osem).wait()


_mesh = plsc.VectorSubcoreMesh(core_axis_name="c", subcore_axis_name="s")

_gather = pl.kernel(
    _body,
    out_type=jax.ShapeDtypeStruct((F, D, B), jnp.float32),
    mesh=_mesh,
    scratch_types=[
        pltpu.VMEM((B,), jnp.int32),
        pltpu.VMEM((B,), jnp.float32),
        pltpu.VMEM((HLEN[0],), jnp.float32),
        pltpu.VMEM((HLEN[1],), jnp.float32),
        pltpu.SemaphoreType.DMA,
        pltpu.SemaphoreType.DMA,
        pltpu.SemaphoreType.DMA,
    ],
    compiler_params=pltpu.CompilerParams(needs_layout_passes=False),
)


@jax.jit
def kernel(indices, tables):
    idx_t = jnp.transpose(indices, (1, 0))
    tab_t = jnp.transpose(tables, (0, 2, 1))
    out_t = _gather(idx_t, tab_t)
    return jnp.transpose(out_t, (2, 0, 1))

# --- scband reference (transcript-rebuilt; emitter-appended) ---
"""Pipeline reference for scband-feature-embedding-17738214933191 (READ-ONLY COPY).

The authoritative reference and input builder live on the scoring server;
editing this copy changes nothing except your own understanding.
"""

import jax, jax.numpy as jnp
import numpy as np

B = 4096   # batch
F = 26     # n_sparse_fields
V = 100000 # vocab_size per field
D = 16     # embedding_dim


def setup_inputs(seed: int = 0) -> dict:
    key = jax.random.key(seed)
    k_idx, k_tab = jax.random.split(key)
    # forward arg: one categorical id per field per sample
    indices = jax.random.randint(k_idx, (B, F), 0, V, dtype=jnp.int32)
    # learned parameters: one embedding table per field, stacked [F, V, D]
    # (FeatureEmbeddingDict creates nn.Embedding(vocab_size, embedding_dim) per feature;
    #  initializer is normal(std=1e-4))
    tables = jax.random.normal(k_tab, (F, V, D), dtype=jnp.float32) * 1e-4
    return {"indices": indices, "tables": tables}


def reference(indices, tables):
    # Faithful translation of FeatureEmbedding/FeatureEmbeddingDict forward for a
    # feature_map of F categorical fields, each with its own embedding table:
    #   for each field f: emb_f = embedding_layers[f](X[:, f])   (gather)
    #   feature_emb = stack([emb_0, ..., emb_{F-1}], dim=1)  -> [B, F, D]
    F_ = tables.shape[0]
    field_ids = jnp.arange(F_)[None, :]          # [1, F]
    feature_emb = tables[field_ids, indices]     # gather -> [B, F, D]
    return feature_emb

if __name__ == "__main__":
    import jax
    _d = setup_inputs()
    print(jax.jit(kernel)(*tuple(_d.values())))

</pallas_src>

<mosaic_0001>
#map = affine_map<(d0, d1) -> (0, 0)>
#map1 = affine_map<(d0, d1) -> (0, 0, 0)>
module attributes {stable_mosaic.version = 14 : i64} {
  func.func @_body(%arg0: i32, %arg1: i32, %arg2: memref<26x4096xi32, #tpu.memory_space<hbm>>, %arg3: memref<26x16x100000xf32, #tpu.memory_space<hbm>>, %arg4: memref<26x16x4096xf32, #tpu.memory_space<hbm>>, %arg5: memref<4096xi32, #tpu.memory_space<vmem>>, %arg6: memref<4096xf32, #tpu.memory_space<vmem>>, %arg7: memref<50176xf32, #tpu.memory_space<vmem>>, %arg8: memref<49824xf32, #tpu.memory_space<vmem>>, %arg9: memref<!tpu.dma_semaphore, #tpu.memory_space<semaphore_mem>>, %arg10: memref<!tpu.dma_semaphore, #tpu.memory_space<semaphore_mem>>, %arg11: memref<!tpu.dma_semaphore, #tpu.memory_space<semaphore_mem>>) attributes {dimension_semantics = [#tpu.dimension_semantics<core_parallel>, #tpu.dimension_semantics<subcore_parallel>], iteration_bounds = array<i64: 2, 16>, scalar_prefetch = 0 : i64, scratch_operands = 7 : i64, tpu.core_type = #tpu.core_type<sc_vector_subcore>, window_params = [{transform_indices = #map}, {transform_indices = #map1}, {transform_indices = #map1}]} {
    %mul3A = arith.constant 2 : i32
    %mul3A_0 = arith.muli %arg1, %mul3A : i32
    %add3A = arith.addi %mul3A_0, %arg0 : i32
    %mul3A_1 = arith.constant 13 : i32
    %mul3A_2 = arith.muli %add3A, %mul3A_1 : i32
    %jit3A = arith.constant 16 : i32
    %div3A = arith.divsi %mul3A_2, %jit3A : i32
    %sign3A = arith.constant 0 : i32
    %sign3A_3 = arith.cmpi sgt, %mul3A_2, %sign3A : i32
    %sign3A_4 = arith.extui %sign3A_3 : i1 to i32
    %sign3A_5 = arith.constant 0 : i32
    %sign3A_6 = arith.cmpi slt, %mul3A_2, %sign3A_5 : i32
    %sign3A_7 = arith.extui %sign3A_6 : i1 to i32
    %sign3A_8 = arith.subi %sign3A_4, %sign3A_7 : i32
    %sign3A_9 = arith.constant 0 : i32
    %sign3A_10 = arith.cmpi sgt, %jit3A, %sign3A_9 : i32
    %sign3A_11 = arith.extui %sign3A_10 : i1 to i32
    %sign3A_12 = arith.constant 0 : i32
    %sign3A_13 = arith.cmpi slt, %jit3A, %sign3A_12 : i32
    %sign3A_14 = arith.extui %sign3A_13 : i1 to i32
    %sign3A_15 = arith.subi %sign3A_11, %sign3A_14 : i32
    %ne3A = arith.cmpi ne, %sign3A_8, %sign3A_15 : i32
    %rem3A = arith.remsi %mul3A_2, %jit3A : i32
    %ne3A_16 = arith.constant 0 : i32
    %ne3A_17 = arith.cmpi ne, %rem3A, %ne3A_16 : i32
    %and3A = arith.andi %ne3A, %ne3A_17 : i1
    %sub3A = arith.constant 1 : i32
    %sub3A_18 = arith.subi %div3A, %sub3A : i32
    %select_n3A = arith.select %and3A, %sub3A_18, %div3A : i32
    %mul3A_19 = arith.constant 16 : i32
    %mul3A_20 = arith.muli %select_n3A, %mul3A_19 : i32
    %sub3A_21 = arith.subi %mul3A_2, %mul3A_20 : i32
    %dma_start3A = arith.constant 0 : i32
    %dma_start3A_22 = tpu.memref_slice %arg3[%select_n3A, %sub3A_21, %dma_start3A] : memref<26x16x100000xf32, #tpu.memory_space<hbm>> -> memref<1x1x50176xf32, #tpu.memory_space<hbm>>
    %dma_start3A_23 = tpu.memref_squeeze %dma_start3A_22 : memref<1x1x50176xf32, #tpu.memory_space<hbm>> -> memref<50176xf32, #tpu.memory_space<hbm>>
    %dma_start3A_24 = arith.constant 0 : i32
    %dma_start3A_25 = tpu.memref_slice %arg3[%select_n3A, %sub3A_21, %dma_start3A_24] : memref<26x16x100000xf32, #tpu.memory_space<hbm>> -> memref<1x1x50176xf32, #tpu.memory_space<hbm>>
    %dma_start3A_26 = tpu.memref_squeeze %dma_start3A_25 : memref<1x1x50176xf32, #tpu.memory_space<hbm>> -> memref<50176xf32, #tpu.memory_space<hbm>>
    tpu.enqueue_dma source(%dma_start3A_26 : memref<50176xf32, #tpu.memory_space<hbm>>) target(%arg7 : memref<50176xf32, #tpu.memory_space<vmem>>) target_semaphore(%arg9 : memref<!tpu.dma_semaphore, #tpu.memory_space<semaphore_mem>>)
    %dma_start3A_27 = arith.constant 50176 : i32
    %dma_start3A_28 = tpu.memref_slice %arg3[%select_n3A, %sub3A_21, %dma_start3A_27] : memref<26x16x100000xf32, #tpu.memory_space<hbm>> -> memref<1x1x49824xf32, #tpu.memory_space<hbm>>
    %dma_start3A_29 = tpu.memref_squeeze %dma_start3A_28 : memref<1x1x49824xf32, #tpu.memory_space<hbm>> -> memref<49824xf32, #tpu.memory_space<hbm>>
    %dma_start3A_30 = arith.constant 50176 : i32
    %dma_start3A_31 = tpu.memref_slice %arg3[%select_n3A, %sub3A_21, %dma_start3A_30] : memref<26x16x100000xf32, #tpu.memory_space<hbm>> -> memref<1x1x49824xf32, #tpu.memory_space<hbm>>
    %dma_start3A_32 = tpu.memref_squeeze %dma_start3A_31 : memref<1x1x49824xf32, #tpu.memory_space<hbm>> -> memref<49824xf32, #tpu.memory_space<hbm>>
    tpu.enqueue_dma source(%dma_start3A_32 : memref<49824xf32, #tpu.memory_space<hbm>>) target(%arg8 : memref<49824xf32, #tpu.memory_space<vmem>>) target_semaphore(%arg10 : memref<!tpu.dma_semaphore, #tpu.memory_space<semaphore_mem>>)
    %scan3A = arith.constant -1 : i32
    %scan3A_33 = arith.constant 0 : i32
    %scan3A_34 = arith.constant 13 : i32
    %scan3A_35 = arith.addi %scan3A_33, %scan3A_34 : i32
    %scan3A_36 = arith.constant 1 : i32
    %scan3A_37 = scf.for %scan3A_75 = %scan3A_33 to %scan3A_35 step %scan3A_36 iter_args(%scan3A_76 = %scan3A) -> (i32)  : i32 {
      %add3A_77 = arith.addi %mul3A_2, %scan3A_75 : i32
      %jit3A_78 = arith.constant 16 : i32
      %div3A_79 = arith.divsi %add3A_77, %jit3A_78 : i32
      %sign3A_80 = arith.constant 0 : i32
      %sign3A_81 = arith.cmpi sgt, %add3A_77, %sign3A_80 : i32
      %sign3A_82 = arith.extui %sign3A_81 : i1 to i32
      %sign3A_83 = arith.constant 0 : i32
      %sign3A_84 = arith.cmpi slt, %add3A_77, %sign3A_83 : i32
      %sign3A_85 = arith.extui %sign3A_84 : i1 to i32
      %sign3A_86 = arith.subi %sign3A_82, %sign3A_85 : i32
      %sign3A_87 = arith.constant 0 : i32
      %sign3A_88 = arith.cmpi sgt, %jit3A_78, %sign3A_87 : i32
      %sign3A_89 = arith.extui %sign3A_88 : i1 to i32
      %sign3A_90 = arith.constant 0 : i32
      %sign3A_91 = arith.cmpi slt, %jit3A_78, %sign3A_90 : i32
      %sign3A_92 = arith.extui %sign3A_91 : i1 to i32
      %sign3A_93 = arith.subi %sign3A_89, %sign3A_92 : i32
      %ne3A_94 = arith.cmpi ne, %sign3A_86, %sign3A_93 : i32
      %rem3A_95 = arith.remsi %add3A_77, %jit3A_78 : i32
      %ne3A_96 = arith.constant 0 : i32
      %ne3A_97 = arith.cmpi ne, %rem3A_95, %ne3A_96 : i32
      %and3A_98 = arith.andi %ne3A_94, %ne3A_97 : i1
      %sub3A_99 = arith.constant 1 : i32
      %sub3A_100 = arith.subi %div3A_79, %sub3A_99 : i32
      %select_n3A_101 = arith.select %and3A_98, %sub3A_100, %div3A_79 : i32
      %mul3A_102 = arith.constant 16 : i32
      %mul3A_103 = arith.muli %select_n3A_101, %mul3A_102 : i32
      %sub3A_104 = arith.subi %add3A_77, %mul3A_103 : i32
      %add3A_105 = arith.constant 1 : i32
      %add3A_106 = arith.addi %add3A_77, %add3A_105 : i32
      %jit3A_107 = arith.constant 16 : i32
      %div3A_108 = arith.divsi %add3A_106, %jit3A_107 : i32
      %sign3A_109 = arith.constant 0 : i32
      %sign3A_110 = arith.cmpi sgt, %add3A_106, %sign3A_109 : i32
      %sign3A_111 = arith.extui %sign3A_110 : i1 to i32
      %sign3A_112 = arith.constant 0 : i32
      %sign3A_113 = arith.cmpi slt, %add3A_106, %sign3A_112 : i32
      %sign3A_114 = arith.extui %sign3A_113 : i1 to i32
      %sign3A_115 = arith.subi %sign3A_111, %sign3A_114 : i32
      %sign3A_116 = arith.constant 0 : i32
      %sign3A_117 = arith.cmpi sgt, %jit3A_107, %sign3A_116 : i32
      %sign3A_118 = arith.extui %sign3A_117 : i1 to i32
      %sign3A_119 = arith.constant 0 : i32
      %sign3A_120 = arith.cmpi slt, %jit3A_107, %sign3A_119 : i32
      %sign3A_121 = arith.extui %sign3A_120 : i1 to i32
      %sign3A_122 = arith.subi %sign3A_118, %sign3A_121 : i32
      %ne3A_123 = arith.cmpi ne, %sign3A_115, %sign3A_122 : i32
      %rem3A_124 = arith.remsi %add3A_106, %jit3A_107 : i32
      %ne3A_125 = arith.constant 0 : i32
      %ne3A_126 = arith.cmpi ne, %rem3A_124, %ne3A_125 : i32
      %and3A_127 = arith.andi %ne3A_123, %ne3A_126 : i1
      %sub3A_128 = arith.constant 1 : i32
      %sub3A_129 = arith.subi %div3A_108, %sub3A_128 : i32
      %select_n3A_130 = arith.select %and3A_127, %sub3A_129, %div3A_108 : i32
      %mul3A_131 = arith.constant 16 : i32
      %mul3A_132 = arith.muli %select_n3A_130, %mul3A_131 : i32
      %sub3A_133 = arith.subi %add3A_106, %mul3A_132 : i32
      %gt3A = arith.constant 0 : i32
      %gt3A_134 = arith.cmpi sgt, %scan3A_75, %gt3A : i32
      %convert_element_type3A = arith.extui %gt3A_134 : i1 to i32
      %cond3A = arith.constant 0 : i32
      %cond3A_135 = arith.cmpi ne, %convert_element_type3A, %cond3A : i32
      scf.if %cond3A_135 {
        %dma_wait3A_179 = arith.constant 0 : i32
        %dma_wait3A_180 = tpu.memref_slice %arg4[%select_n3A_101, %sub3A_104, %dma_wait3A_179] : memref<26x16x4096xf32, #tpu.memory_space<hbm>> -> memref<1x1x4096xf32, #tpu.memory_space<hbm>>
        %dma_wait3A_181 = tpu.memref_squeeze %dma_wait3A_180 : memref<1x1x4096xf32, #tpu.memory_space<hbm>> -> memref<4096xf32, #tpu.memory_space<hbm>>
        %dma_wait3A_182 = arith.constant 0 : i32
        %dma_wait3A_183 = tpu.memref_slice %arg4[%select_n3A_101, %sub3A_104, %dma_wait3A_182] : memref<26x16x4096xf32, #tpu.memory_space<hbm>> -> memref<1x1x4096xf32, #tpu.memory_space<hbm>>
        %dma_wait3A_184 = tpu.memref_squeeze %dma_wait3A_183 : memref<1x1x4096xf32, #tpu.memory_space<hbm>> -> memref<4096xf32, #tpu.memory_space<hbm>>
        tpu.wait_dma2 semaphore(%arg11 : memref<!tpu.dma_semaphore, #tpu.memory_space<semaphore_mem>>) src(%arg6 : memref<4096xf32, #tpu.memory_space<vmem>>) dst(%dma_wait3A_184 : memref<4096xf32, #tpu.memory_space<hbm>>)
      } else {
      }
      %ne3A_136 = arith.cmpi ne, %select_n3A_101, %scan3A_76 : i32
      %convert_element_type3A_137 = arith.extui %ne3A_136 : i1 to i32
      %cond3A_138 = arith.constant 0 : i32
      %cond3A_139 = arith.cmpi ne, %convert_element_type3A_137, %cond3A_138 : i32
      scf.if %cond3A_139 {
        "tpu.region"() ({
          %run_scoped3A = tpu.sem_alloc : memref<!tpu.dma_semaphore, #tpu.memory_space<semaphore_mem>>
          %dma_start3A_179 = arith.constant 0 : i32
          %dma_start3A_180 = tpu.memref_slice %arg2[%select_n3A_101, %dma_start3A_179] : memref<26x4096xi32, #tpu.memory_space<hbm>> -> memref<1x4096xi32, #tpu.memory_space<hbm>>
          %dma_start3A_181 = tpu.memref_squeeze %dma_start3A_180 : memref<1x4096xi32, #tpu.memory_space<hbm>> -> memref<4096xi32, #tpu.memory_space<hbm>>
          %dma_start3A_182 = arith.constant 0 : i32
          %dma_start3A_183 = tpu.memref_slice %arg2[%select_n3A_101, %dma_start3A_182] : memref<26x4096xi32, #tpu.memory_space<hbm>> -> memref<1x4096xi32, #tpu.memory_space<hbm>>
          %dma_start3A_184 = tpu.memref_squeeze %dma_start3A_183 : memref<1x4096xi32, #tpu.memory_space<hbm>> -> memref<4096xi32, #tpu.memory_space<hbm>>
          tpu.enqueue_dma source(%dma_start3A_184 : memref<4096xi32, #tpu.memory_space<hbm>>) target(%arg5 : memref<4096xi32, #tpu.memory_space<vmem>>) target_semaphore(%run_scoped3A : memref<!tpu.dma_semaphore, #tpu.memory_space<semaphore_mem>>)
          %dma_wait3A_185 = arith.constant 0 : i32
          %dma_wait3A_186 = tpu.memref_slice %arg2[%select_n3A_101, %dma_wait3A_185] : memref<26x4096xi32, #tpu.memory_space<hbm>> -> memref<1x4096xi32, #tpu.memory_space<hbm>>
          %dma_wait3A_187 = tpu.memref_squeeze %dma_wait3A_186 : memref<1x4096xi32, #tpu.memory_space<hbm>> -> memref<4096xi32, #tpu.memory_space<hbm>>
          %dma_wait3A_188 = arith.constant 0 : i32
          %dma_wait3A_189 = tpu.memref_slice %arg2[%select_n3A_101, %dma_wait3A_188] : memref<26x4096xi32, #tpu.memory_space<hbm>> -> memref<1x4096xi32, #tpu.memory_space<hbm>>
          %dma_wait3A_190 = tpu.memref_squeeze %dma_wait3A_189 : memref<1x4096xi32, #tpu.memory_space<hbm>> -> memref<4096xi32, #tpu.memory_space<hbm>>
          tpu.wait_dma2 semaphore(%run_scoped3A : memref<!tpu.dma_semaphore, #tpu.memory_space<semaphore_mem>>) src(%dma_wait3A_190 : memref<4096xi32, #tpu.memory_space<hbm>>) dst(%arg5 : memref<4096xi32, #tpu.memory_space<vmem>>)
          tpu.yield
        }) : () -> ()
      } else {
      }
      %dma_wait3A_140 = arith.constant 0 : i32
      %dma_wait3A_141 = tpu.memref_slice %arg3[%select_n3A_101, %sub3A_104, %dma_wait3A_140] : memref<26x16x100000xf32, #tpu.memory_space<hbm>> -> memref<1x1x50176xf32, #tpu.memory_space<hbm>>
      %dma_wait3A_142 = tpu.memref_squeeze %dma_wait3A_141 : memref<1x1x50176xf32, #tpu.memory_space<hbm>> -> memref<50176xf32, #tpu.memory_space<hbm>>
      %dma_wait3A_143 = arith.constant 0 : i32
      %dma_wait3A_144 = tpu.memref_slice %arg3[%select_n3A_101, %sub3A_104, %dma_wait3A_143] : memref<26x16x100000xf32, #tpu.memory_space<hbm>> -> memref<1x1x50176xf32, #tpu.memory_space<hbm>>
      %dma_wait3A_145 = tpu.memref_squeeze %dma_wait3A_144 : memref<1x1x50176xf32, #tpu.memory_space<hbm>> -> memref<50176xf32, #tpu.memory_space<hbm>>
      tpu.wait_dma2 semaphore(%arg9 : memref<!tpu.dma_semaphore, #tpu.memory_space<semaphore_mem>>) src(%dma_wait3A_145 : memref<50176xf32, #tpu.memory_space<hbm>>) dst(%arg7 : memref<50176xf32, #tpu.memory_space<vmem>>)
      %scan3A_146 = arith.constant 0 : i32
      %scan3A_147 = arith.constant 0 : i32
      %scan3A_148 = arith.constant 64 : i32
      %scan3A_149 = arith.addi %scan3A_147, %scan3A_148 : i32
      %scan3A_150 = arith.constant 1 : i32
      scf.for %scan3A_179 = %scan3A_147 to %scan3A_149 step %scan3A_150  : i32 {
        %mul3A_180 = arith.constant 64 : i32
        %mul3A_181 = arith.muli %scan3A_179, %mul3A_180 : i32
        %add3A_182 = arith.constant 0 : i32
        %add3A_183 = arith.addi %mul3A_181, %add3A_182 : i32
        %get3A = arith.index_cast %add3A_183 : i32 to index
        %get3A_184 = tpu.vector_load %arg5[%get3A] {strides = array<i32>} : memref<4096xi32, #tpu.memory_space<vmem>>, vector<16xi32>,
        %min3A = arith.constant 50175 : i32
        %min3A_185 = vector.broadcast %min3A : i32 to vector<16xi32>
        %min3A_186 = arith.minsi %get3A_184, %min3A_185 : vector<16xi32>
        %gather3A = tpu.vector_load_idx %arg7[%min3A_186] : memref<50176xf32, #tpu.memory_space<vmem>>[vector<16xi32>], vector<16xf32>,
        %swap3A = arith.index_cast %add3A_183 : i32 to index
        %swap3A_187 = tpu.vector_load %arg6[%swap3A] {strides = array<i32>} : memref<4096xf32, #tpu.memory_space<vmem>>, vector<16xf32>,
        tpu.vector_store %arg6[%swap3A], %gather3A {strides = array<i32>} : memref<4096xf32, #tpu.memory_space<vmem>>, vector<16xf32>,
        %mul3A_188 = arith.constant 64 : i32
        %mul3A_189 = arith.muli %scan3A_179, %mul3A_188 : i32
        %add3A_190 = arith.constant 16 : i32
        %add3A_191 = arith.addi %mul3A_189, %add3A_190 : i32
        %get3A_192 = arith.index_cast %add3A_191 : i32 to index
        %get3A_193 = tpu.vector_load %arg5[%get3A_192] {strides = array<i32>} : memref<4096xi32, #tpu.memory_space<vmem>>, vector<16xi32>,
        %min3A_194 = arith.constant 50175 : i32
        %min3A_195 = vector.broadcast %min3A_194 : i32 to vector<16xi32>
        %min3A_196 = arith.minsi %get3A_193, %min3A_195 : vector<16xi32>
        %gather3A_197 = tpu.vector_load_idx %arg7[%min3A_196] : memref<50176xf32, #tpu.memory_space<vmem>>[vector<16xi32>], vector<16xf32>,
        %swap3A_198 = arith.index_cast %add3A_191 : i32 to index
        %swap3A_199 = tpu.vector_load %arg6[%swap3A_198] {strides = array<i32>} : memref<4096xf32, #tpu.memory_space<vmem>>, vector<16xf32>,
        tpu.vector_store %arg6[%swap3A_198], %gather3A_197 {strides = array<i32>} : memref<4096xf32, #tpu.memory_space<vmem>>, vector<16xf32>,
        %mul3A_200 = arith.constant 64 : i32
        %mul3A_201 = arith.muli %scan3A_179, %mul3A_200 : i32
        %add3A_202 = arith.constant 32 : i32
        %add3A_203 = arith.addi %mul3A_201, %add3A_202 : i32
        %get3A_204 = arith.index_cast %add3A_203 : i32 to index
        %get3A_205 = tpu.vector_load %arg5[%get3A_204] {strides = array<i32>} : memref<4096xi32, #tpu.memory_space<vmem>>, vector<16xi32>,
        %min3A_206 = arith.constant 50175 : i32
        %min3A_207 = vector.broadcast %min3A_206 : i32 to vector<16xi32>
        %min3A_208 = arith.minsi %get3A_205, %min3A_207 : vector<16xi32>
        %gather3A_209 = tpu.vector_load_idx %arg7[%min3A_208] : memref<50176xf32, #tpu.memory_space<vmem>>[vector<16xi32>], vector<16xf32>,
        %swap3A_210 = arith.index_cast %add3A_203 : i32 to index
        %swap3A_211 = tpu.vector_load %arg6[%swap3A_210] {strides = array<i32>} : memref<4096xf32, #tpu.memory_space<vmem>>, vector<16xf32>,
        tpu.vector_store %arg6[%swap3A_210], %gather3A_209 {strides = array<i32>} : memref<4096xf32, #tpu.memory_space<vmem>>, vector<16xf32>,
        %mul3A_212 = arith.constant 64 : i32
        %mul3A_213 = arith.muli %scan3A_179, %mul3A_212 : i32
        %add3A_214 = arith.constant 48 : i32
        %add3A_215 = arith.addi %mul3A_213, %add3A_214 : i32
        %get3A_216 = arith.index_cast %add3A_215 : i32 to index
        %get3A_217 = tpu.vector_load %arg5[%get3A_216] {strides = array<i32>} : memref<4096xi32, #tpu.memory_space<vmem>>, vector<16xi32>,
        %min3A_218 = arith.constant 50175 : i32
        %min3A_219 = vector.broadcast %min3A_218 : i32 to vector<16xi32>
        %min3A_220 = arith.minsi %get3A_217, %min3A_219 : vector<16xi32>
        %gather3A_221 = tpu.vector_load_idx %arg7[%min3A_220] : memref<50176xf32, #tpu.memory_space<vmem>>[vector<16xi32>], vector<16xf32>,
        %swap3A_222 = arith.index_cast %add3A_215 : i32 to index
        %swap3A_223 = tpu.vector_load %arg6[%swap3A_222] {strides = array<i32>} : memref<4096xf32, #tpu.memory_space<vmem>>, vector<16xf32>,
        tpu.vector_store %arg6[%swap3A_222], %gather3A_221 {strides = array<i32>} : memref<4096xf32, #tpu.memory_space<vmem>>, vector<16xf32>,
      }
      %scan3A_151 = arith.constant 64 : i32
      %lt3A = arith.constant 12 : i32
      %lt3A_152 = arith.cmpi slt, %scan3A_75, %lt3A : i32
      %convert_element_type3A_153 = arith.extui %lt3A_152 : i1 to i32
      %cond3A_154 = arith.constant 0 : i32
      %cond3A_155 = arith.cmpi ne, %convert_element_type3A_153, %cond3A_154 : i32
      scf.if %cond3A_155 {
        %dma_start3A_179 = arith.constant 0 : i32
        %dma_start3A_180 = tpu.memref_slice %arg3[%select_n3A_130, %sub3A_133, %dma_start3A_179] : memref<26x16x100000xf32, #tpu.memory_space<hbm>> -> memref<1x1x50176xf32, #tpu.memory_space<hbm>>
        %dma_start3A_181 = tpu.memref_squeeze %dma_start3A_180 : memref<1x1x50176xf32, #tpu.memory_space<hbm>> -> memref<50176xf32, #tpu.memory_space<hbm>>
        %dma_start3A_182 = arith.constant 0 : i32
        %dma_start3A_183 = tpu.memref_slice %arg3[%select_n3A_130, %sub3A_133, %dma_start3A_182] : memref<26x16x100000xf32, #tpu.memory_space<hbm>> -> memref<1x1x50176xf32, #tpu.memory_space<hbm>>
        %dma_start3A_184 = tpu.memref_squeeze %dma_start3A_183 : memref<1x1x50176xf32, #tpu.memory_space<hbm>> -> memref<50176xf32, #tpu.memory_space<hbm>>
        tpu.enqueue_dma source(%dma_start3A_184 : memref<50176xf32, #tpu.memory_space<hbm>>) target(%arg7 : memref<50176xf32, #tpu.memory_space<vmem>>) target_semaphore(%arg9 : memref<!tpu.dma_semaphore, #tpu.memory_space<semaphore_mem>>)
      } else {
      }
      %dma_wait3A_156 = arith.constant 50176 : i32
      %dma_wait3A_157 = tpu.memref_slice %arg3[%select_n3A_101, %sub3A_104, %dma_wait3A_156] : memref<26x16x100000xf32, #tpu.memory_space<hbm>> -> memref<1x1x49824xf32, #tpu.memory_space<hbm>>
      %dma_wait3A_158 = tpu.memref_squeeze %dma_wait3A_157 : memref<1x1x49824xf32, #tpu.memory_space<hbm>> -> memref<49824xf32, #tpu.memory_space<hbm>>
      %dma_wait3A_159 = arith.constant 50176 : i32
      %dma_wait3A_160 = tpu.memref_slice %arg3[%select_n3A_101, %sub3A_104, %dma_wait3A_159] : memref<26x16x100000xf32, #tpu.memory_space<hbm>> -> memref<1x1x49824xf32, #tpu.memory_space<hbm>>
      %dma_wait3A_161 = tpu.memref_squeeze %dma_wait3A_160 : memref<1x1x49824xf32, #tpu.memory_space<hbm>> -> memref<49824xf32, #tpu.memory_space<hbm>>
      tpu.wait_dma2 semaphore(%arg10 : memref<!tpu.dma_semaphore, #tpu.memory_space<semaphore_mem>>) src(%dma_wait3A_161 : memref<49824xf32, #tpu.memory_space<hbm>>) dst(%arg8 : memref<49824xf32, #tpu.memory_space<vmem>>)
      %scan3A_162 = arith.constant 0 : i32
      %scan3A_163 = arith.constant 0 : i32
      %scan3A_164 = arith.constant 64 : i32
      %scan3A_165 = arith.addi %scan3A_163, %scan3A_164 : i32
      %scan3A_166 = arith.constant 1 : i32
      scf.for %scan3A_179 = %scan3A_163 to %scan3A_165 step %scan3A_166  : i32 {
        %mul3A_180 = arith.constant 64 : i32
        %mul3A_181 = arith.muli %scan3A_179, %mul3A_180 : i32
        %add3A_182 = arith.constant 0 : i32
        %add3A_183 = arith.addi %mul3A_181, %add3A_182 : i32
        %get3A = arith.index_cast %add3A_183 : i32 to index
        %get3A_184 = tpu.vector_load %arg5[%get3A] {strides = array<i32>} : memref<4096xi32, #tpu.memory_space<vmem>>, vector<16xi32>,
        %sub3A_185 = arith.constant 50176 : i32
        %sub3A_186 = vector.broadcast %sub3A_185 : i32 to vector<16xi32>
        %sub3A_187 = arith.subi %get3A_184, %sub3A_186 : vector<16xi32>
        %max3A = arith.constant 0 : i32
        %max3A_188 = vector.broadcast %max3A : i32 to vector<16xi32>
        %max3A_189 = arith.maxsi %sub3A_187, %max3A_188 : vector<16xi32>
        %gather3A = tpu.vector_load_idx %arg8[%max3A_189] : memref<49824xf32, #tpu.memory_space<vmem>>[vector<16xi32>], vector<16xf32>,
        %ge3A = arith.constant 50176 : i32
        %ge3A_190 = vector.broadcast %ge3A : i32 to vector<16xi32>
        %ge3A_191 = arith.cmpi sge, %get3A_184, %ge3A_190 : vector<16xi32>
        %get3A_192 = arith.index_cast %add3A_183 : i32 to index
        %get3A_193 = tpu.vector_load %arg6[%get3A_192] {strides = array<i32>} : memref<4096xf32, #tpu.memory_space<vmem>>, vector<16xf32>,
        %select_n3A_194 = arith.select %ge3A_191, %gather3A, %get3A_193 : vector<16xi1>, vector<16xf32>
        %swap3A = arith.index_cast %add3A_183 : i32 to index
        %swap3A_195 = tpu.vector_load %arg6[%swap3A] {strides = array<i32>} : memref<4096xf32, #tpu.memory_space<vmem>>, vector<16xf32>,
        tpu.vector_store %arg6[%swap3A], %select_n3A_194 {strides = array<i32>} : memref<4096xf32, #tpu.memory_space<vmem>>, vector<16xf32>,
        %mul3A_196 = arith.constant 64 : i32
        %mul3A_197 = arith.muli %scan3A_179, %mul3A_196 : i32
        %add3A_198 = arith.constant 16 : i32
        %add3A_199 = arith.addi %mul3A_197, %add3A_198 : i32
        %get3A_200 = arith.index_cast %add3A_199 : i32 to index
        %get3A_201 = tpu.vector_load %arg5[%get3A_200] {strides = array<i32>} : memref<4096xi32, #tpu.memory_space<vmem>>, vector<16xi32>,
        %sub3A_202 = arith.constant 50176 : i32
        %sub3A_203 = vector.broadcast %sub3A_202 : i32 to vector<16xi32>
        %sub3A_204 = arith.subi %get3A_201, %sub3A_203 : vector<16xi32>
        %max3A_205 = arith.constant 0 : i32
        %max3A_206 = vector.broadcast %max3A_205 : i32 to vector<16xi32>
        %max3A_207 = arith.maxsi %sub3A_204, %max3A_206 : vector<16xi32>
        %gather3A_208 = tpu.vector_load_idx %arg8[%max3A_207] : memref<49824xf32, #tpu.memory_space<vmem>>[vector<16xi32>], vector<16xf32>,
        %ge3A_209 = arith.constant 50176 : i32
        %ge3A_210 = vector.broadcast %ge3A_209 : i32 to vector<16xi32>
        %ge3A_211 = arith.cmpi sge, %get3A_201, %ge3A_210 : vector<16xi32>
        %get3A_212 = arith.index_cast %add3A_199 : i32 to index
        %get3A_213 = tpu.vector_load %arg6[%get3A_212] {strides = array<i32>} : memref<4096xf32, #tpu.memory_space<vmem>>, vector<16xf32>,
        %select_n3A_214 = arith.select %ge3A_211, %gather3A_208, %get3A_213 : vector<16xi1>, vector<16xf32>
        %swap3A_215 = arith.index_cast %add3A_199 : i32 to index
        %swap3A_216 = tpu.vector_load %arg6[%swap3A_215] {strides = array<i32>} : memref<4096xf32, #tpu.memory_space<vmem>>, vector<16xf32>,
        tpu.vector_store %arg6[%swap3A_215], %select_n3A_214 {strides = array<i32>} : memref<4096xf32, #tpu.memory_space<vmem>>, vector<16xf32>,
        %mul3A_217 = arith.constant 64 : i32
        %mul3A_218 = arith.muli %scan3A_179, %mul3A_217 : i32
        %add3A_219 = arith.constant 32 : i32
        %add3A_220 = arith.addi %mul3A_218, %add3A_219 : i32
        %get3A_221 = arith.index_cast %add3A_220 : i32 to index
        %get3A_222 = tpu.vector_load %arg5[%get3A_221] {strides = array<i32>} : memref<4096xi32, #tpu.memory_space<vmem>>, vector<16xi32>,
        %sub3A_223 = arith.constant 50176 : i32
        %sub3A_224 = vector.broadcast %sub3A_223 : i32 to vector<16xi32>
        %sub3A_225 = arith.subi %get3A_222, %sub3A_224 : vector<16xi32>
        %max3A_226 = arith.constant 0 : i32
        %max3A_227 = vector.broadcast %max3A_226 : i32 to vector<16xi32>
        %max3A_228 = arith.maxsi %sub3A_225, %max3A_227 : vector<16xi32>
        %gather3A_229 = tpu.vector_load_idx %arg8[%max3A_228] : memref<49824xf32, #tpu.memory_space<vmem>>[vector<16xi32>], vector<16xf32>,
        %ge3A_230 = arith.constant 50176 : i32
        %ge3A_231 = vector.broadcast %ge3A_230 : i32 to vector<16xi32>
        %ge3A_232 = arith.cmpi sge, %get3A_222, %ge3A_231 : vector<16xi32>
        %get3A_233 = arith.index_cast %add3A_220 : i32 to index
        %get3A_234 = tpu.vector_load %arg6[%get3A_233] {strides = array<i32>} : memref<4096xf32, #tpu.memory_space<vmem>>, vector<16xf32>,
        %select_n3A_235 = arith.select %ge3A_232, %gather3A_229, %get3A_234 : vector<16xi1>, vector<16xf32>
        %swap3A_236 = arith.index_cast %add3A_220 : i32 to index
        %swap3A_237 = tpu.vector_load %arg6[%swap3A_236] {strides = array<i32>} : memref<4096xf32, #tpu.memory_space<vmem>>, vector<16xf32>,
        tpu.vector_store %arg6[%swap3A_236], %select_n3A_235 {strides = array<i32>} : memref<4096xf32, #tpu.memory_space<vmem>>, vector<16xf32>,
        %mul3A_238 = arith.constant 64 : i32
        %mul3A_239 = arith.muli %scan3A_179, %mul3A_238 : i32
        %add3A_240 = arith.constant 48 : i32
        %add3A_241 = arith.addi %mul3A_239, %add3A_240 : i32
        %get3A_242 = arith.index_cast %add3A_241 : i32 to index
        %get3A_243 = tpu.vector_load %arg5[%get3A_242] {strides = array<i32>} : memref<4096xi32, #tpu.memory_space<vmem>>, vector<16xi32>,
        %sub3A_244 = arith.constant 50176 : i32
        %sub3A_245 = vector.broadcast %sub3A_244 : i32 to vector<16xi32>
        %sub3A_246 = arith.subi %get3A_243, %sub3A_245 : vector<16xi32>
        %max3A_247 = arith.constant 0 : i32
        %max3A_248 = vector.broadcast %max3A_247 : i32 to vector<16xi32>
        %max3A_249 = arith.maxsi %sub3A_246, %max3A_248 : vector<16xi32>
        %gather3A_250 = tpu.vector_load_idx %arg8[%max3A_249] : memref<49824xf32, #tpu.memory_space<vmem>>[vector<16xi32>], vector<16xf32>,
        %ge3A_251 = arith.constant 50176 : i32
        %ge3A_252 = vector.broadcast %ge3A_251 : i32 to vector<16xi32>
        %ge3A_253 = arith.cmpi sge, %get3A_243, %ge3A_252 : vector<16xi32>
        %get3A_254 = arith.index_cast %add3A_241 : i32 to index
        %get3A_255 = tpu.vector_load %arg6[%get3A_254] {strides = array<i32>} : memref<4096xf32, #tpu.memory_space<vmem>>, vector<16xf32>,
        %select_n3A_256 = arith.select %ge3A_253, %gather3A_250, %get3A_255 : vector<16xi1>, vector<16xf32>
        %swap3A_257 = arith.index_cast %add3A_241 : i32 to index
        %swap3A_258 = tpu.vector_load %arg6[%swap3A_257] {strides = array<i32>} : memref<4096xf32, #tpu.memory_space<vmem>>, vector<16xf32>,
        tpu.vector_store %arg6[%swap3A_257], %select_n3A_256 {strides = array<i32>} : memref<4096xf32, #tpu.memory_space<vmem>>, vector<16xf32>,
      }
      %scan3A_167 = arith.constant 64 : i32
      %lt3A_168 = arith.constant 12 : i32
      %lt3A_169 = arith.cmpi slt, %scan3A_75, %lt3A_168 : i32
      %convert_element_type3A_170 = arith.extui %lt3A_169 : i1 to i32
      %cond3A_171 = arith.constant 0 : i32
      %cond3A_172 = arith.cmpi ne, %convert_element_type3A_170, %cond3A_171 : i32
      scf.if %cond3A_172 {
        %dma_start3A_179 = arith.constant 50176 : i32
        %dma_start3A_180 = tpu.memref_slice %arg3[%select_n3A_130, %sub3A_133, %dma_start3A_179] : memref<26x16x100000xf32, #tpu.memory_space<hbm>> -> memref<1x1x49824xf32, #tpu.memory_space<hbm>>
        %dma_start3A_181 = tpu.memref_squeeze %dma_start3A_180 : memref<1x1x49824xf32, #tpu.memory_space<hbm>> -> memref<49824xf32, #tpu.memory_space<hbm>>
        %dma_start3A_182 = arith.constant 50176 : i32
        %dma_start3A_183 = tpu.memref_slice %arg3[%select_n3A_130, %sub3A_133, %dma_start3A_182] : memref<26x16x100000xf32, #tpu.memory_space<hbm>> -> memref<1x1x49824xf32, #tpu.memory_space<hbm>>
        %dma_start3A_184 = tpu.memref_squeeze %dma_start3A_183 : memref<1x1x49824xf32, #tpu.memory_space<hbm>> -> memref<49824xf32, #tpu.memory_space<hbm>>
        tpu.enqueue_dma source(%dma_start3A_184 : memref<49824xf32, #tpu.memory_space<hbm>>) target(%arg8 : memref<49824xf32, #tpu.memory_space<vmem>>) target_semaphore(%arg10 : memref<!tpu.dma_semaphore, #tpu.memory_space<semaphore_mem>>)
      } else {
      }
      %dma_start3A_173 = arith.constant 0 : i32
      %dma_start3A_174 = tpu.memref_slice %arg4[%select_n3A_101, %sub3A_104, %dma_start3A_173] : memref<26x16x4096xf32, #tpu.memory_space<hbm>> -> memref<1x1x4096xf32, #tpu.memory_space<hbm>>
      %dma_start3A_175 = tpu.memref_squeeze %dma_start3A_174 : memref<1x1x4096xf32, #tpu.memory_space<hbm>> -> memref<4096xf32, #tpu.memory_space<hbm>>
      %dma_start3A_176 = arith.constant 0 : i32
      %dma_start3A_177 = tpu.memref_slice %arg4[%select_n3A_101, %sub3A_104, %dma_start3A_176] : memref<26x16x4096xf32, #tpu.memory_space<hbm>> -> memref<1x1x4096xf32, #tpu.memory_space<hbm>>
      %dma_start3A_178 = tpu.memref_squeeze %dma_start3A_177 : memref<1x1x4096xf32, #tpu.memory_space<hbm>> -> memref<4096xf32, #tpu.memory_space<hbm>>
      tpu.enqueue_dma source(%arg6 : memref<4096xf32, #tpu.memory_space<vmem>>) target(%dma_start3A_178 : memref<4096xf32, #tpu.memory_space<hbm>>) target_semaphore(%arg11 : memref<!tpu.dma_semaphore, #tpu.memory_space<semaphore_mem>>)
      scf.yield %select_n3A_101 : i32
    }
    %scan3A_38 = arith.constant 13 : i32
    %add3A_39 = arith.constant 13 : i32
    %add3A_40 = arith.addi %mul3A_2, %add3A_39 : i32
    %sub3A_41 = arith.constant 1 : i32
    %sub3A_42 = arith.subi %add3A_40, %sub3A_41 : i32
    %jit3A_43 = arith.constant 16 : i32
    %div3A_44 = arith.divsi %sub3A_42, %jit3A_43 : i32
    %sign3A_45 = arith.constant 0 : i32
    %sign3A_46 = arith.cmpi sgt, %sub3A_42, %sign3A_45 : i32
    %sign3A_47 = arith.extui %sign3A_46 : i1 to i32
    %sign3A_48 = arith.constant 0 : i32
    %sign3A_49 = arith.cmpi slt, %sub3A_42, %sign3A_48 : i32
    %sign3A_50 = arith.extui %sign3A_49 : i1 to i32
    %sign3A_51 = arith.subi %sign3A_47, %sign3A_50 : i32
    %sign3A_52 = arith.constant 0 : i32
    %sign3A_53 = arith.cmpi sgt, %jit3A_43, %sign3A_52 : i32
    %sign3A_54 = arith.extui %sign3A_53 : i1 to i32
    %sign3A_55 = arith.constant 0 : i32
    %sign3A_56 = arith.cmpi slt, %jit3A_43, %sign3A_55 : i32
    %sign3A_57 = arith.extui %sign3A_56 : i1 to i32
    %sign3A_58 = arith.subi %sign3A_54, %sign3A_57 : i32
    %ne3A_59 = arith.cmpi ne, %sign3A_51, %sign3A_58 : i32
    %rem3A_60 = arith.remsi %sub3A_42, %jit3A_43 : i32
    %ne3A_61 = arith.constant 0 : i32
    %ne3A_62 = arith.cmpi ne, %rem3A_60, %ne3A_61 : i32
    %and3A_63 = arith.andi %ne3A_59, %ne3A_62 : i1
    %sub3A_64 = arith.constant 1 : i32
    %sub3A_65 = arith.subi %div3A_44, %sub3A_64 : i32
    %select_n3A_66 = arith.select %and3A_63, %sub3A_65, %div3A_44 : i32
    %mul3A_67 = arith.constant 16 : i32
    %mul3A_68 = arith.muli %select_n3A_66, %mul3A_67 : i32
    %sub3A_69 = arith.subi %sub3A_42, %mul3A_68 : i32
    %dma_wait3A = arith.constant 0 : i32
    %dma_wait3A_70 = tpu.memref_slice %arg4[%select_n3A_66, %sub3A_69, %dma_wait3A] : memref<26x16x4096xf32, #tpu.memory_space<hbm>> -> memref<1x1x4096xf32, #tpu.memory_space<hbm>>
    %dma_wait3A_71 = tpu.memref_squeeze %dma_wait3A_70 : memref<1x1x4096xf32, #tpu.memory_space<hbm>> -> memref<4096xf32, #tpu.memory_space<hbm>>
    %dma_wait3A_72 = arith.constant 0 : i32
    %dma_wait3A_73 = tpu.memref_slice %arg4[%select_n3A_66, %sub3A_69, %dma_wait3A_72] : memref<26x16x4096xf32, #tpu.memory_space<hbm>> -> memref<1x1x4096xf32, #tpu.memory_space<hbm>>
    %dma_wait3A_74 = tpu.memref_squeeze %dma_wait3A_73 : memref<1x1x4096xf32, #tpu.memory_space<hbm>> -> memref<4096xf32, #tpu.memory_space<hbm>>
    tpu.wait_dma2 semaphore(%arg11 : memref<!tpu.dma_semaphore, #tpu.memory_space<semaphore_mem>>) src(%arg6 : memref<4096xf32, #tpu.memory_space<vmem>>) dst(%dma_wait3A_74 : memref<4096xf32, #tpu.memory_space<hbm>>)
    return
  }
}

</mosaic_0001>

<sc_bundles>
// kernel: kernel.3.cloned.1.call-start
scs
__scs_entry_jumppad:
0x0: {  	(pc) =	sbr.rel $0x88, $3  }
0x1: {  	(tag) =	ssettag $0x0;
	lr =	simm.s32 $0x1  }
0x2: {  	[smem:$0x3F9F] =	sst lr;
	_ =	strace $0xD0000000  }
0x3: {  	_ = 	snop  }
0x4: {  	_ = 	snop  }
0x5: {  	_ = 	snop  }
0x6: {  	_ = 	snop  }
0x7: {  	_ = 	snop  }
__scs_overlays_trampoline_lowered:
0x8: {  	[smem:$0x3FAE] =	sst s0  }
0x9: {  	[smem:$0x3FAF] =	sst s1  }
0xa: {  	[smem:$0x3FB0] =	sst s2  }
0xb: {  	[smem:$0x3FB1] =	sst s3  }
0xc: {  	[smem:$0x3FB2] =	sst s4  }
0xd: {  	[smem:$0x3FB3] =	sst s5  }
0xe: {  	[smem:$0x3FB4] =	sst s6  }
0xf: {  	[smem:$0x3FB5] =	sst s7  }
0x10: {  	[smem:$0x3FB6] =	sst s8  }
0x11: {  	[smem:$0x3FB7] =	sst s9;
	s0 =	simm.s32 @!p0 $0x0  }
0x12: {  	s1 =	sld [smem:$0x3F9D];
	s0 =	simm.s32 @p0 $0x1  }
0x13: {  	[smem:$0x3FB8] =	sst s0;
	s0 =	simm.s32 @!p1 $0x0  }
0x14: {  	s2 =	sld [smem:$0x3F9C];
	s0 =	simm.s32 @p1 $0x1  }
0x15: {  	[smem:$0x3FB9] =	sst s0;
	s0 =	simm.s32 @!p2 $0x0  }
0x16: {  	s3 =	sld [smem:$0x3FDB];
	s0 =	simm.s32 @p2 $0x1  }
0x17: {  	s4 =	simm.s32 $0x1BF5;
	[smem:$0x3FBB] =	sst s0  }
0x18: {  	s0 =	sld [smem:$0x3F9E];
	_ =	swait.ge [sflag:s4], $0x0  }
0x19: {  	s7 =	sld [smem:$0x3F9F]  }
0x1a: {  	s8 =	sadd.s32 $0xFFFFE003, lr  }
0x1b: {  	s9 =	sadd.s32 $0xFFFFFEF7, lr;
	s5 =	simm.s32 $0xFFFFFFFF;
	p2 =	slt.u32 s8, $0xFFFFF086  }
0x1c: {  	p1 =	slt.u32 s9, $0xF7A;
	s5 =	simm.s32 @!p2 $0x0  }
0x1d: {  	s5 =	simm.s32 @p1 $0x1;
	p0 =	seq.s32 s7, s2  }
0x1e: {  	s7 =	smul.u32 @!p0 $0xF7A, s2;
	p2 =	seq.s32 @!p0 s5, $0x0  }
0x1f: {  	s9 =	smul.u32 $0xF7A, s1;
	s8 =	simm.s32 @!p0 $0x1BF5;
	p2 =	por !p2, p0  }
0x20: {  	[sflag:s8] =	ssyncset.s32 @!p0 $0xFFFFF086;
	s6 =	sadd.s32 @!p0 s3, s7;
	s7 =	simm.s32 @!p0 $0x108  }
0x21: {  	s3 =	sadd.s32 s3, s9;
	s6 =	sadd.s32 @!p0 $0x88, s6;
	s7 =	simm.s32 @p2 $0x1082  }
0x22: {  	[simem:s7], [sflag:s8] =	dma.local @!p0 [hbm:s6], $0xF7A  }
0x23: {  	s9 =	sor.u32 $0xD0000000, s2;
	s6 =	simm.s32 $0x108;
	_ =	swait.ge @!p0 [sflag:s8], $0x0  }
0x24: {  	s3 =	sadd.s32 $0x88, s3;
	s6 =	simm.s32 @!p1 $0x1082;
	[sflag:s4] =	ssyncset.s32 $0xFFFFF086  }
0x25: {  	[simem:s6], [sflag:s4] =	dma.local [hbm:s3], $0xF7A  }
0x26: {  	[smem:$0x3F9F] =	sst s1;
	(tag) =	ssettag s2;
	_ =	strace s9  }
0x27: {  	s1 =	sld [smem:$0x3FAF]  }
0x28: {  	s2 =	sld [smem:$0x3FB0]  }
0x29: {  	s4 =	sld [smem:$0x3FB2]  }
0x2a: {  	p0 =	seq.s32 s5, $0x0;
	s5 =	sld [smem:$0x3FB3]  }
0x2b: {  	s6 =	sld [smem:$0x3FB4]  }
0x2c: {  	s7 =	sld [smem:$0x3FB5]  }
0x2d: {  	s3 =	simm.s32 $0x108;
	s8 =	sld [smem:$0x3FB6]  }
0x2e: {  	s3 =	simm.s32 @!p0 $0x1082;
	s9 =	sld [smem:$0x3FB7]  }
0x2f: {  	lr =	sadd.s32 s0, s3;
	s0 =	sld [smem:$0x3FAE]  }
0x30: {  	s3 =	sld [smem:$0x3FB1]  }
0x31: {  	[smem:$0x3FBA] =	sst s10  }
0x32: {  	s10 =	sld [smem:$0x3FB8];
	_ =	sdelay $0x3  }
0x33: {  	p0 =	seq.s32 s10, $0x1;
	s10 =	sld [smem:$0x3FBA];
	_ =	sdelay $0x3  }
0x34: {  	[smem:$0x3FBA] =	sst s10  }
0x35: {  	s10 =	sld [smem:$0x3FB9];
	_ =	sdelay $0x3  }
0x36: {  	p1 =	seq.s32 s10, $0x1;
	s10 =	sld [smem:$0x3FBA];
	_ =	sdelay $0x3  }
0x37: {  	[smem:$0x3FBA] =	sst s10  }
0x38: {  	s10 =	sld [smem:$0x3FBB]  }
0x39: {  	_ = 	snop;
	(pc) =	sbr.ind lr, $3  }
0x3a: {  	_ = 	snop  }
0x3b: {  	_ = 	snop  }
0x3c: {  	p2 =	seq.s32 s10, $0x1;
	s10 =	sld [smem:$0x3FBA]  }
0x3d: {  	_ =	shalt  }
0x3e: {  	_ =	shalt  }
0x3f: {  	_ =	shalt  }
0x40: {  	_ =	shalt  }
0x41: {  	_ =	shalt  }
0x42: {  	_ =	shalt  }
0x43: {  	_ =	shalt  }
0x44: {  	_ =	shalt  }
0x45: {  	_ =	shalt  }
0x46: {  	_ =	shalt  }
0x47: {  	_ =	shalt  }
0x48: {  	_ =	shalt  }
0x49: {  	_ =	shalt  }
0x4a: {  	_ =	shalt  }
0x4b: {  	_ =	shalt  }
0x4c: {  	_ =	shalt  }
0x4d: {  	_ =	shalt  }
0x4e: {  	_ =	shalt  }
0x4f: {  	_ =	shalt  }
0x50: {  	_ =	shalt  }
0x51: {  	_ =	shalt  }
0x52: {  	_ =	shalt  }
0x53: {  	_ =	shalt  }
0x54: {  	_ =	shalt  }
0x55: {  	_ =	shalt  }
0x56: {  	_ =	shalt  }
0x57: {  	_ =	shalt  }
0x58: {  	_ =	shalt  }
0x59: {  	_ =	shalt  }
0x5a: {  	_ =	shalt  }
0x5b: {  	_ =	shalt  }
0x5c: {  	_ =	shalt  }
0x5d: {  	_ =	shalt  }
0x5e: {  	_ =	shalt  }
0x5f: {  	_ =	shalt  }
0x60: {  	_ =	shalt  }
0x61: {  	_ =	shalt  }
0x62: {  	_ =	shalt  }
0x63: {  	_ =	shalt  }
0x64: {  	_ =	shalt  }
0x65: {  	_ =	shalt  }
0x66: {  	_ =	shalt  }
0x67: {  	_ =	shalt  }
0x68: {  	_ =	shalt  }
0x69: {  	_ =	shalt  }
0x6a: {  	_ =	shalt  }
0x6b: {  	_ =	shalt  }
0x6c: {  	_ =	shalt  }
0x6d: {  	_ =	shalt  }
0x6e: {  	_ =	shalt  }
0x6f: {  	_ =	shalt  }
0x70: {  	_ =	shalt  }
0x71: {  	_ =	shalt  }
0x72: {  	_ =	shalt  }
0x73: {  	_ =	shalt  }
0x74: {  	_ =	shalt  }
0x75: {  	_ =	shalt  }
0x76: {  	_ =	shalt  }
0x77: {  	_ =	shalt  }
0x78: {  	_ =	shalt  }
0x79: {  	_ =	shalt  }
0x7a: {  	_ =	shalt  }
0x7b: {  	_ =	shalt  }
0x7c: {  	_ =	shalt  }
0x7d: {  	_ =	shalt  }
0x7e: {  	_ =	shalt  }
0x7f: {  	_ =	shalt  }
0x80: {  	_ =	shalt  }
0x81: {  	_ =	shalt  }
0x82: {  	_ =	shalt  }
0x83: {  	_ =	shalt  }
0x84: {  	_ =	shalt  }
0x85: {  	_ =	shalt  }
0x86: {  	_ =	shalt  }
0x87: {  	_ =	shalt  }
.Lfunc_end0:
.L_simem_size_0:
called_computation_lowered:
.L_overlay_start_0:
0x88: {  	s2 =	sld [smem:$0x3FD9]  }
0x89: {  	s3 =	sld [smem:$0x3FFE];
	_ =	sdelay $0x1  }
0x8a: {  	s1 =	srdreg.scid  }
0x8b: {  	s0 =	sand.u32 $0x1, s1  }
0x8c: {  	s18 =	sshll.u32 s0, $0xA;
	s2 =	sadd.s32 s3, s2  }
0x8d: {  	s2 =	sadd.s32 s2, s18  }
0x8e: {  	[smem:$0x3FC6] =	sst s2  }
0x8f: {  	_ = 	snop  }
0x90: {  	s2 =	sld [smem:$0x3FC9]  }
0x91: {  	s19 =	sld [smem:$0x3FC8]  }
0x92: {  	s4 =	sld [smem:$0x3FD0];
	(tm) =	ssettm $0x1  }
0x93: {  	s5 =	sld [smem:$0x3FFB];
	_ =	sdelay $0x3  }
0x94: {  	_ =	strace s5  }
0x95: {  	s5 =	sld [smem:$0x3FFC];
	_ =	sdelay $0x3  }
0x96: {  	_ =	strace s5  }
0x97: {  	s5 =	sld [smem:$0x3FFD];
	_ =	sdelay $0x3  }
0x98: {  	_ =	strace s5  }
0x99: {  	_ =	strace $0x8FFFFFFF  }
0x9a: {  	s20 =	sld [smem:$0x3FDB];
	_ =	sdelay $0x1  }
0x9b: {  	s6 =	simm.s32 $_scs_section_size  }
0x9c: {  	s7 =	simm.s32 $_size__tile_overlayer_lowered;
	s8 =	simm.s32 $_tile_overlayer_lowered  }
0x9d: {  	s23 =	simm.s32 $0x1BFF;
	s22 =	sshll.u32 s8, $0x1;
	s5 =	sadd.s32 s6, s20  }
0x9e: {  	s9 =	simm.s32 $0x0;
	s21 =	sshll.u32 s7, $0x1;
	s7 =	sadd.s32 s22, s5  }
0x9f: {  	[timem:s9], [sflag:s23] =	dma.local [hbm:s7], s21  }
0xa0: {  	_ =	swait.ge [sflag:s23], s21  }
0xa1: {  	s6 =	ssub.s32 $0x0, s21;
	[sflag:s23] =	ssyncset.done $0x0  }
0xa2: {  	[sflag:s23] =	ssyncadd.s32 s6;
	_ =	sdelay $0x1  }
0xa3: {  	s24 =	simm.s32 $0x1B8B  }
0xa4: {  	_ =	swait.ge [sflag:s24], $0x1  }
0xa5: {  	[sflag:s24] =	ssyncset.done $0x0  }
0xa6: {  	s25 =	simm.s32 $0x1B8E;
	[sflag:s24] =	ssyncadd.s32 $0xFFFFFFFF  }
0xa7: {  	s26 =	simm.s32 $execute0_lowered;
	[smem:$0x3FD2] =	sst s25  }
0xa8: {  	s6 =	sshll.u32 s26, $0x1;
	_ =	strace $0x80000046;
	[dreg:$0x1] =	wrdreg $0xFFFFFFFF  }
0xa9: {  	s28 =	simm.s32 $_size_execute0_lowered;
	s5 =	sadd.s32 s5, s6;
	[dreg:$0x0] =	wrdreg $0x0  }
0xaa: {  	s6 =	sshll.u32 s28, $0x1;
	[dreg:$0x2] =	wrdreg s5  }
0xab: {  	[dreg:$0x3] =	wrdreg s6  }
0xac: {  	[dreg:$0x4] =	wrdreg $0xC0  }
0xad: {  	_ =	task [dreg:s9], $0x5FFFF  }
0xae: {  	[dreg:$0x1] =	wrdreg $0xFFFFFFFF  }
0xaf: {  	[dreg:$0x0] =	wrdreg $0x60  }
0xb0: {  	[dreg:$0x2] =	wrdreg s2  }
0xb1: {  	[dreg:$0x3] =	wrdreg s19  }
0xb2: {  	[dreg:$0x4] =	wrdreg s4  }
0xb3: {  	[dreg:$0x5] =	wrdreg $0x9  }
0xb4: {  	_ =	task.clear_ibuf [dreg:s9], $0x6FFFF;
	_ =	strace $0x90000046  }
0xb5: {  	s29 =	simm.s32 $0x9;
	_ =	strace $0x80000048  }
0xb6: {  	_ =	swait.ge [sflag:s29], $0x1  }
0xb7: {  	[sflag:s29] =	ssyncadd.s32 $0xFFFFFFFF  }
0xb8: {  	_ =	strace $0x90000048  }
0xb9: {  	_ =	sfence  }
0xba: {  	s30 =	sld [smem:$0x0];
	_ =	sdelay $0x2  }
0xbb: {  	s31 =	sshll.u32 s1, $0xD;
	s1 =	sshrl.u32 s1, $0x2  }
0xbc: {  	s3 =	sand.u32 $0x4000, s31;
	s1 =	sadd.s32 s1, s30  }
0xbd: {  	s0 =	sor.u32 s3, s0;
	s1 =	sshll.u32 s1, $0x11  }
0xbe: {  	s0 =	sor.u32 s1, s0  }
0xbf: {  	s0 =	sadd.s32 $0x8F2B, s0  }
0xc0: {  	[sflag:s0] =	ssyncadd.remote.s32 $0x1  }
0xc1: {  	_ =	sfence.sel $0xFFFF  }
0xc2: {  	[dreg:$0x0] =	wrdreg $0xFFFFFFFF;
	(pc) =	sbr.abs _section_cstart, $3  }
0xc3: {  	[dreg:$0x1] =	wrdreg $0xFFFFFFFF  }
0xc4: {  	_ =	task.clear_ibuf [dreg:s9], $0x2FFFF;
	_ =	strace $0x9FFFFFFF  }
0xc5: {  	(tm) =	ssettm $0x7FFFFFFF  }
tec
execute0_lowered:
.L_overlay_start_1:
0x0: {  	(tag) =	ssettag $0x1  }
0x1: {  	s1 =	srdreg.scid  }
0x2: {  	s0 =	stileid.u32;
	s2 =	rddreg [dreg:$0x0]  }
0x3: {  	s4 =	rddreg [dreg:$0x1];
	s7 =	sand.u32 $0x1, s1;
	s30 =	sshll.u32 s0, $0x1  }
0x4: {  	s11 =	simm.s32 $0x400;
	s12 =	simm.s32 $0x2000;
	s3 =	sor.u32 s7, s30  }
0x5: {  	s13 =	simm.s32 $0xE400;
	s14 =	simm.s32 $0x1;
	s1 =	smul.u32 $0xD, s3  }
0x6: {  	s15 =	simm.s32 $0x2;
	s16 =	simm.s32 $0x1000;
	s17 =	simm.s32 $0x3  }
0x7: {  	s9 =	smul.u32 $0x280, s3;
	s5 =	sshrl.u32 s1, $0x4;
	s6 =	sshll.u32 s1, $0x1C  }
0x8: {  	s7 =	ssub.s32 $0x2, s7;
	s8 =	smul.u32 $0x187000, s5;
	s6 =	sshra.s32 s6, $0x1F  }
0x9: {  	s3 =	rddreg [dreg:$0x3];
	s9 =	sand.u32 $0x380, s9;
	s10 =	sand.u32 $0xC3800, s6  }
0xa: {  	s5 =	rddreg [dreg:$0x2];
	s6 =	simm.s32 $0x0;
	s8 =	sadd.s32 s8, s10  }
0xb: {  	s31 =	sshrl.u32 s7, $0x1;
	[smem:$0x7FF] =	sst s6;
	s8 =	sor.u32 s9, s8  }
0xc: {  	s10 =	ssub.s32 s7, s31;
	s9 =	sadd.s32 $0x62000, s8;
	s8 =	sshrl.u32 s8, $0x3  }
0xd: {  	_ =	strace $0x80000047;
	s9 =	sshrl.u32 s9, $0x3;
	s7 =	sadd.s32 s4, s8  }
0xe: {  	s8 =	sadd.s32 s4, s9;
	s9 =	smax.u32 s10, $0x1;
	s10 =	simm.s32 $0x80  }
.LBB2_1:
0xf: {  	[tilespmem:s12], [sflag:$0x1] =	stream.strided.gather [hbm4b:s7+s10], $0xC400, s11, s10, $0x38;
	[tilespmem:$0x1A700] =	vst v63  }
0x10: {  	s19 =	simm.s32 $0xFFFFFFFF;
	s18 =	simm.s32 $0x0  }
0x11: {  	[tilespmem:s13], [sflag:$0x2] =	stream.strided.gather [hbm4b:s8+s10], $0xC300, s11, s10, $0x38;
	[tilespmem:$0x1A700] =	vst v63  }
.LBB2_2:
0x12: {  	s20 =	sadd.s32 s1, s18  }
0x13: {  	s21 =	smov.u32 s19;
	p1 =	seq.s32 s18, $0x0;
	s19 =	sshrl.u32 s20, $0x4  }
0x14: {  	s22 =	simm.s32 @!p1 $0x3;
	p0 =	seq.s32 s19, s21  }
0x15: {  	_ =	swait.ge @!p1 [sflag:s22], $0x1000;
	s21 =	sshll.u32 @!p0 s19, $0x9  }
0x16: {  	s23 =	sand.u32 @!p0 $0x70, s20;
	[sflag:s22] =	ssyncset.done @!p1 $0x0;
	s24 =	simm.s32 @!p0 $0x0  }
0x17: {  	s21 =	sand.u32 @!p0 $0xFFFF000, s21;
	s23 =	sadd.s32 @!p0 s2, s23;
	[sflag:s22] =	ssyncadd.s32 @!p1 $0xFFFFF000  }
0x18: {  	s22 =	simm.s32 @!p0 $0x80;
	s21 =	sadd.s32 @!p0 s21, s23;
	s23 =	simm.s32 @!p0 $0x400  }
0x19: {  	[tilespmem:s24], [sflag:$0x4] =	stream.strided.gather @!p0 [hbm4b:s21+s22], $0x1000, s23, s22, $0x38;
	[tilespmem:$0x1A700] =	vst v63  }
0x1a: {  	s21 =	simm.s32 @!p0 $0x4  }
0x1b: {  	_ =	swait.ge @!p0 [sflag:s21], $0x1000  }
0x1c: {  	[sflag:s21] =	ssyncset.done @!p0 $0x0  }
0x1d: {  	[sflag:s21] =	ssyncadd.s32 @!p0 $0xFFFFF000  }
0x1e: {  	_ =	swait.ge [sflag:s14], $0xC400  }
0x1f: {  	[sflag:s14] =	ssyncset.done $0x0  }
0x20: {  	s22 =	simm.s32 $0x0;
	[sflag:s14] =	ssyncadd.s32 $0xFFFF3C00  }
0x21: {  	v0 =	vld [tilespmem:s22+$0x0];
	_ =	sdelay $0x4  }
0x22: {  	vm0 =	vlt.s32 v0, $0xC3FF  }
0x23: {  	v1 =	vld [tilespmem:s22+$0x10];
	v0 =	vnsel vm0, $0xC3FF, v0;
	_ =	sdelay $0x4  }
0x24: {  	vm13 =	vlt.s32 v1, $0xC3FF;
	v0 =	vld.idx.msk [tilespmem:v0+s12+$0x0], $0xffff  }
0x25: {  	v2 =	vld [tilespmem:s22+$0x20];
	v1 =	vnsel vm13, $0xC3FF, v1;
	_ =	sdelay $0x3  }
0x26: {  	[tilespmem:s22+$0x1000] =	vst v0  }
0x27: {  	vm14 =	vlt.s32 v2, $0xC3FF;
	v0 =	vld.idx.msk [tilespmem:v1+s12+$0x0], $0xffff  }
0x28: {  	v2 =	vnsel vm14, $0xC3FF, v2;
	v1 =	vld [tilespmem:s22+$0x30];
	_ =	sdelay $0x3  }
0x29: {  	[tilespmem:s22+$0x1010] =	vst v0  }
0x2a: {  	s25 =	simm.s32 $0x40;
	s23 =	sadd.s32 $0x1, s20;
	vm15 =	vlt.s32 v1, $0xC3FF;
	v0 =	vld.idx.msk [tilespmem:v2+s12+$0x0], $0xffff  }
0x2b: {  	s26 =	simm.s32 $0x200;
	s24 =	sand.u32 $0xF, s23;
	s21 =	sshrl.u32 s23, $0x4;
	v1 =	vnsel vm15, $0xC3FF, v1  }
.LBB2_3:
0x2c: {  	p0 =	sne.s32 s26, $0x3F00;
	v2 =	vld [tilespmem:s25+$0x0];
	_ =	sdelay $0x2  }
0x2d: {  	[tilespmem:s22+$0x1020] =	vst v0  }
0x2e: {  	v0 =	vld.idx.msk [tilespmem:v1+s12+$0x0], $0xffff  }
0x2f: {  	vm0 =	vlt.s32 v2, $0xC3FF  }
0x30: {  	v1 =	vnsel vm0, $0xC3FF, v2  }
0x31: {  	v2 =	vld [tilespmem:s25+$0x10];
	_ =	sdelay $0x2  }
0x32: {  	[tilespmem:s22+$0x1030] =	vst v0;
	s22 =	smov.u32 s25  }
0x33: {  	v0 =	vld.idx.msk [tilespmem:v1+s12+$0x0], $0xffff  }
0x34: {  	vm0 =	vlt.s32 v2, $0xC3FF  }
0x35: {  	v1 =	vnsel vm0, $0xC3FF, v2  }
0x36: {  	v2 =	vld [tilespmem:s22+$0x20];
	_ =	sdelay $0x2  }
0x37: {  	[tilespmem:s22+$0x1000] =	vst v0  }
0x38: {  	v0 =	vld.idx.msk [tilespmem:v1+s12+$0x0], $0xffff  }
0x39: {  	vm0 =	vlt.s32 v2, $0xC3FF  }
0x3a: {  	v1 =	vnsel vm0, $0xC3FF, v2  }
0x3b: {  	v2 =	vld [tilespmem:s22+$0x30];
	_ =	sdelay $0x1  }
.Ltmp0:
0x3c: {  	(pc) =	sbr.rel @p0 .LBB2_3-.Ltmp0, $4  }
0x3d: {  	[tilespmem:s22+$0x1010] =	vst v0  }
0x3e: {  	v0 =	vld.idx.msk [tilespmem:v1+s12+$0x0], $0xffff  }
0x3f: {  	vm0 =	vlt.s32 v2, $0xC3FF  }
0x40: {  	s25 =	sshra.s32 s26, $0x2;
	s26 =	sadd.s32 $0x100, s26;
	v1 =	vnsel vm0, $0xC3FF, v2  }
0x41: {  	v2 =	vld [tilespmem:s25+$0x0];
	_ =	sdelay $0x3  }
0x42: {  	[tilespmem:s22+$0x1020] =	vst v0  }
0x43: {  	v0 =	vld.idx.msk [tilespmem:v1+s12+$0x0], $0xffff;
	vm0 =	vlt.s32 v2, $0xC3FF  }
0x44: {  	v1 =	vnsel vm0, $0xC3FF, v2;
	v2 =	vld [tilespmem:s25+$0x10];
	_ =	sdelay $0x3  }
0x45: {  	[tilespmem:s22+$0x1030] =	vst v0  }
0x46: {  	v0 =	vld.idx.msk [tilespmem:v1+s12+$0x0], $0xffff;
	vm7 =	vlt.s32 v2, $0xC3FF  }
0x47: {  	v1 =	vnsel vm7, $0xC3FF, v2;
	v2 =	vld [tilespmem:s25+$0x20];
	_ =	sdelay $0x3  }
0x48: {  	[tilespmem:s25+$0x1000] =	vst v0  }
0x49: {  	v0 =	vld.idx.msk [tilespmem:v1+s12+$0x0], $0xffff;
	vm8 =	vlt.s32 v2, $0xC3FF  }
0x4a: {  	v1 =	vnsel vm8, $0xC3FF, v2;
	v2 =	vld [tilespmem:s25+$0x30];
	_ =	sdelay $0x3  }
0x4b: {  	[tilespmem:s25+$0x1010] =	vst v0  }
0x4c: {  	v0 =	vld.idx.msk [tilespmem:v1+s12+$0x0], $0xffff;
	vm9 =	vlt.s32 v2, $0xC3FF  }
0x4d: {  	v1 =	vnsel vm9, $0xC3FF, v2;
	_ =	sdelay $0x2  }
0x4e: {  	p0 =	seq.s32 s18, $0xC  }
0x4f: {  	s21 =	smul.u32 @!p0 $0x187000, s21;
	s22 =	sshrl.u32 @!p0 s24, $0x3;
	[tilespmem:s25+$0x1020] =	vst v0  }
0x50: {  	s22 =	smul.u32 @!p0 $0xC3800, s22;
	v0 =	vld.idx.msk [tilespmem:v1+s12+$0x0], $0xffff  }
0x51: {  	s23 =	sshll.u32 @!p0 s23, $0x7  }
0x52: {  	s23 =	sand.u32 @!p0 $0x380, s23;
	s24 =	sadd.s32 @!p0 s21, s22  }
0x53: {  	s24 =	sor.u32 @!p0 s23, s24  }
0x54: {  	s26 =	simm.s32 @!p0 $0x400;
	s24 =	sshrl.u32 @!p0 s24, $0x3  }
0x55: {  	s28 =	simm.s32 @!p0 $0x2000;
	s24 =	sadd.s32 @!p0 s4, s24;
	[tilespmem:s25+$0x1030] =	vst v0;
	s25 =	simm.s32 @!p0 $0x80  }
0x56: {  	[tilespmem:s28], [sflag:$0x1] =	stream.strided.gather @!p0 [hbm4b:s24+s25], $0xC400, s26, s25, $0x38;
	[tilespmem:$0x1A700] =	vst v63  }
0x57: {  	_ =	swait.ge [sflag:s15], $0xC300  }
0x58: {  	[sflag:s15] =	ssyncset.done $0x0  }
0x59: {  	s25 =	simm.s32 $0x0;
	[sflag:s15] =	ssyncadd.s32 $0xFFFF3D00  }
0x5a: {  	v0 =	vld [tilespmem:s25+$0x0];
	_ =	sdelay $0x4  }
0x5b: {  	v1 =	vadd.s32 $0xFFFF3C00, v0  }
0x5c: {  	vm10 =	vgt.s32 v1, $0x0  }
0x5d: {  	v2 =	vld [tilespmem:s25+$0x10];
	v1 =	vnsel vm10, $0x0, v1;
	_ =	sdelay $0x3  }
0x5e: {  	v4 =	vld [tilespmem:s25+$0x1000]  }
0x5f: {  	v3 =	vld.idx.msk [tilespmem:v1+s13+$0x0], $0xffff;
	v1 =	vadd.s32 $0xFFFF3C00, v2  }
0x60: {  	vm11 =	vgt.s32 v1, $0x0  }
0x61: {  	v5 =	vnsel vm11, $0x0, v1;
	v1 =	vld [tilespmem:s25+$0x20];
	_ =	sdelay $0x1  }
0x62: {  	vm12 =	vgt.s32 v0, $0xC3FF  }
0x63: {  	v0 =	vsel vm12, v3, v4  }
0x64: {  	v4 =	vld [tilespmem:s25+$0x1010];
	[tilespmem:s25+$0x1000] =	vst v0  }
0x65: {  	v3 =	vld.idx.msk [tilespmem:v5+s13+$0x0], $0xffff;
	v5 =	vadd.s32 $0xFFFF3C00, v1  }
0x66: {  	vm13 =	vgt.s32 v5, $0x0  }
0x67: {  	v0 =	vld [tilespmem:s25+$0x30];
	v5 =	vnsel vm13, $0x0, v5;
	_ =	sdelay $0x1  }
0x68: {  	vm14 =	vgt.s32 v2, $0xC3FF  }
0x69: {  	v2 =	vsel vm14, v3, v4  }
0x6a: {  	v3 =	vld [tilespmem:s25+$0x1020];
	[tilespmem:s25+$0x1010] =	vst v2  }
0x6b: {  	v4 =	vadd.s32 $0xFFFF3C00, v0;
	v2 =	vld.idx.msk [tilespmem:v5+s13+$0x0], $0xffff  }
0x6c: {  	s31 =	sshll.u32 s20, $0x7;
	vm15 =	vgt.s32 v4, $0x0  }
0x6d: {  	s24 =	sand.u32 $0x380, s31;
	s26 =	simm.s32 $0x40;
	s28 =	simm.s32 $0x200;
	v4 =	vnsel vm15, $0x0, v4  }
.LBB2_5:
0x6e: {  	p1 =	sne.s32 s28, $0x3F00;
	v5 =	vld [tilespmem:s26+$0x0]  }
0x6f: {  	vm0 =	vgt.s32 v1, $0xC3FF  }
0x70: {  	v1 =	vsel vm0, v2, v3  }
0x71: {  	[tilespmem:s25+$0x1020] =	vst v1  }
0x72: {  	v1 =	vld.idx.msk [tilespmem:v4+s13+$0x0], $0xffff  }
0x73: {  	v2 =	vadd.s32 $0xFFFF3C00, v5;
	v3 =	vld [tilespmem:s25+$0x1030]  }
0x74: {  	vm0 =	vgt.s32 v2, $0x0  }
0x75: {  	v2 =	vnsel vm0, $0x0, v2  }
0x76: {  	v4 =	vld [tilespmem:s26+$0x10]  }
0x77: {  	vm0 =	vgt.s32 v0, $0xC3FF  }
0x78: {  	v0 =	vsel vm0, v1, v3  }
0x79: {  	[tilespmem:s25+$0x1030] =	vst v0;
	s25 =	smov.u32 s26  }
0x7a: {  	v0 =	vld.idx.msk [tilespmem:v2+s13+$0x0], $0xffff  }
0x7b: {  	v2 =	vld [tilespmem:s25+$0x1000];
	v1 =	vadd.s32 $0xFFFF3C00, v4  }
0x7c: {  	vm0 =	vgt.s32 v1, $0x0  }
0x7d: {  	v3 =	vnsel vm0, $0x0, v1  }
0x7e: {  	v1 =	vld [tilespmem:s25+$0x20]  }
0x7f: {  	vm0 =	vgt.s32 v5, $0xC3FF  }
0x80: {  	v0 =	vsel vm0, v0, v2  }
0x81: {  	[tilespmem:s25+$0x1000] =	vst v0  }
0x82: {  	v2 =	vld.idx.msk [tilespmem:v3+s13+$0x0], $0xffff  }
0x83: {  	v3 =	vld [tilespmem:s25+$0x1010];
	v0 =	vadd.s32 $0xFFFF3C00, v1  }
0x84: {  	vm0 =	vgt.s32 v0, $0x0  }
0x85: {  	v5 =	vnsel vm0, $0x0, v0  }
0x86: {  	v0 =	vld [tilespmem:s25+$0x30]  }
0x87: {  	vm0 =	vgt.s32 v4, $0xC3FF  }
0x88: {  	v2 =	vsel vm0, v2, v3  }
.Ltmp1:
0x89: {  	[tilespmem:s25+$0x1010] =	vst v2;
	(pc) =	sbr.rel @p1 .LBB2_5-.Ltmp1, $4  }
0x8a: {  	v2 =	vld.idx.msk [tilespmem:v5+s13+$0x0], $0xffff  }
0x8b: {  	v3 =	vld [tilespmem:s25+$0x1020];
	v4 =	vadd.s32 $0xFFFF3C00, v0  }
0x8c: {  	vm0 =	vgt.s32 v4, $0x0  }
0x8d: {  	s26 =	sshra.s32 s28, $0x2;
	s28 =	sadd.s32 $0x100, s28;
	v4 =	vnsel vm0, $0x0, v4  }
0x8e: {  	v5 =	vld [tilespmem:s26+$0x0]  }
0x8f: {  	vm0 =	vgt.s32 v1, $0xC3FF  }
0x90: {  	v1 =	vsel vm0, v2, v3  }
0x91: {  	v53 =	vld [tilespmem:s25+$0x1030];
	[tilespmem:s25+$0x1020] =	vst v1  }
0x92: {  	v1 =	vld.idx.msk [tilespmem:v4+s13+$0x0], $0xffff  }
0x93: {  	v52 =	vadd.s32 $0xFFFF3C00, v5  }
0x94: {  	vm7 =	vgt.s32 v52, $0x0  }
0x95: {  	v54 =	vld [tilespmem:s26+$0x10];
	v2 =	vnsel vm7, $0x0, v52  }
0x96: {  	vm8 =	vgt.s32 v0, $0xC3FF  }
0x97: {  	v0 =	vsel vm8, v1, v53  }
0x98: {  	[tilespmem:s25+$0x1030] =	vst v0  }
0x99: {  	v55 =	vld [tilespmem:s26+$0x1000]  }
0x9a: {  	v56 =	vadd.s32 $0xFFFF3C00, v54;
	v0 =	vld.idx.msk [tilespmem:v2+s13+$0x0], $0xffff  }
0x9b: {  	vm9 =	vgt.s32 v56, $0x0  }
0x9c: {  	v57 =	vld [tilespmem:s26+$0x20];
	v2 =	vnsel vm9, $0x0, v56;
	_ =	sdelay $0x1  }
0x9d: {  	vm10 =	vgt.s32 v5, $0xC3FF  }
0x9e: {  	v0 =	vsel vm10, v0, v55  }
0x9f: {  	v58 =	vld [tilespmem:s26+$0x1010];
	[tilespmem:s26+$0x1000] =	vst v0  }
0xa0: {  	v59 =	vadd.s32 $0xFFFF3C00, v57;
	v0 =	vld.idx.msk [tilespmem:v2+s13+$0x0], $0xffff  }
0xa1: {  	vm11 =	vgt.s32 v59, $0x0  }
0xa2: {  	v60 =	vld [tilespmem:s26+$0x30];
	v2 =	vnsel vm11, $0x0, v59;
	_ =	sdelay $0x1  }
0xa3: {  	vm12 =	vgt.s32 v54, $0xC3FF  }
0xa4: {  	v0 =	vsel vm12, v0, v58  }
0xa5: {  	v61 =	vld [tilespmem:s26+$0x1020];
	[tilespmem:s26+$0x1010] =	vst v0  }
0xa6: {  	v62 =	vadd.s32 $0xFFFF3C00, v60;
	v0 =	vld.idx.msk [tilespmem:v2+s13+$0x0], $0xffff  }
0xa7: {  	vm13 =	vgt.s32 v62, $0x0  }
0xa8: {  	v2 =	vnsel vm13, $0x0, v62;
	_ =	sdelay $0x1  }
0xa9: {  	vm14 =	vgt.s32 v57, $0xC3FF  }
0xaa: {  	v0 =	vsel vm14, v0, v61  }
0xab: {  	v63 =	vld [tilespmem:s26+$0x1030];
	[tilespmem:s26+$0x1020] =	vst v0  }
0xac: {  	v0 =	vld.idx.msk [tilespmem:v2+s13+$0x0], $0xffff;
	_ =	sdelay $0x1  }
0xad: {  	s21 =	sor.u32 @!p0 s23, s21  }
0xae: {  	s23 =	simm.s32 @!p0 $0x400;
	s21 =	sadd.s32 @!p0 s22, s21  }
0xaf: {  	s31 =	sshll.u32 s19, $0x10;
	s20 =	sshll.u32 s20, $0xC;
	s21 =	sadd.s32 @!p0 $0x62000, s21;
	vm15 =	vgt.s32 v60, $0xC3FF  }
0xb0: {  	s18 =	sadd.s32 $0x1, s18;
	s22 =	simm.s32 @!p0 $0x80;
	s21 =	sshrl.u32 @!p0 s21, $0x3;
	v0 =	vsel vm15, v0, v63  }
0xb1: {  	s20 =	ssub.s32 s20, s31;
	s21 =	sadd.s32 @!p0 s4, s21;
	s25 =	simm.s32 @!p0 $0xE400;
	[tilespmem:s26+$0x1030] =	vst v0  }
0xb2: {  	[tilespmem:s25], [sflag:$0x2] =	stream.strided.gather @!p0 [hbm4b:s21+s22], $0xC300, s23, s22, $0x38;
	[tilespmem:$0x1A700] =	vst v63  }
0xb3: {  	s20 =	sand.u32 $0xFFFF8000, s20;
	p0 =	sne.s32 s18, $0xD  }
.Ltmp2:
0xb4: {  	s20 =	sadd.s32 s31, s20;
	(pc) =	sbr.rel @p0 .LBB2_2-.Ltmp2, $4  }
0xb5: {  	s20 =	sor.u32 s24, s20  }
0xb6: {  	s20 =	sshrl.u32 s20, $0x3  }
0xb7: {  	s20 =	sadd.s32 s5, s20  }
0xb8: {  	[hbm4b:s20+s10] =	stream.strided.scatter [tilespmem:s16], [sflag:$0x3], $0x1000, s11, s10, $0x38;
	[tilespmem:$0x1A700] =	vst v63  }
0xb9: {  	s6 =	sadd.s32 $0x1, s6  }
0xba: {  	p0 =	sne.s32 s6, s9  }
.Ltmp3:
0xbb: {  	_ = 	snop;
	(pc) =	sbr.rel @p0 .LBB2_1-.Ltmp3, $4  }
0xbc: {  	_ = 	snop  }
0xbd: {  	_ =	swait.ge [sflag:s17], $0x1000  }
0xbe: {  	[sflag:s17] =	ssyncset.done $0x0  }
0xbf: {  	[sflag:s17] =	ssyncadd.s32 $0xFFFFF000  }
0xc0: {  	_ =	sfence.sel $0x180000  }
0xc1: {  	[bflag:$0x0] =	sbarrier.arrive $0xFFFF  }
0xc2: {  	p0 =	sne.s32 s0, $0x0;
	_ =	strace $0x90000047  }
0xc3: {  	s0 =	sadd.s32 @!p0 $0x100000, s3;
	[bflag:$0x2] =	sbarrier.arrive $0xFFFF  }
0xc4: {  	[sflag:s0] =	ssyncadd.tile.s32 @!p0 $0x1;
	_ =	shalt  }
.Lfunc_end2:
_tile_overlayer_lowered:
.L_overlay_start_2:
0xc5: {  	(tag) =	ssettag $0x2  }
0xc6: {  	s0 =	rddreg [dreg:$0x0];
	s2 =	stileid.u32  }
0xc7: {  	s1 =	rddreg [dreg:$0x1];
	p0 =	sne.s32 s2, $0x0  }
0xc8: {  	s3 =	rddreg [dreg:$0x2];
	[bflag:$0x3] =	sbarrier.arrive $0xFFFF;
	s2 =	simm.s32 @!p0 $0x1C04  }
0xc9: {  	[timem:s3], [sflag:s2] =	dma.local @!p0 [hbm:s0], s1  }
0xca: {  	s0 =	simm.s32 @!p0 $0x4  }
0xcb: {  	_ =	swait.ge @!p0 [sflag:s0], s1  }
0xcc: {  	s1 =	ssub.s32 @!p0 $0x0, s1;
	[sflag:s0] =	ssyncset.done @!p0 $0x0  }
0xcd: {  	[sflag:s0] =	ssyncadd.s32 @!p0 s1  }
0xce: {  	[bflag:$0x3] =	sbarrier.arrive $0xFFFF  }
0xcf: {  	_ =	shalt  }

</sc_bundles>
